<compile_context>
chip_gen: v7x
topology: tpu7x:2x2x1
jax: 0.10.2.dev20260603
libtpu: 0.0.44.dev20260713+nightly
codegen_flags: <defaults>
</compile_context>

<pallas_src>
import functools

import jax
import jax.numpy as jnp
from jax import lax
from jax.experimental import pallas as pl
from jax.experimental.pallas import tpu as pltpu
from jax.experimental.pallas import tpu_sc as plsc

_TT = 16
_NBUF = 4

_NW = 32


def _sc_gather_kernel(idx_hbm, exttab_hbm, out_hbm, idx_v, rows_v, sem):
    rpw = rows_v.shape[0]
    wid = lax.axis_index("s") * 2 + lax.axis_index("c")
    r0 = wid * rpw

    pltpu.sync_copy(idx_hbm.at[pl.ds(r0, rpw)], idx_v)
    gather = pltpu.make_async_copy(exttab_hbm.at[idx_v], rows_v, sem)
    gather.start()
    gather.wait()
    pltpu.sync_copy(rows_v, out_hbm.at[pl.ds(r0, rpw)])


def _tc_kernel(eids_ref, regrows_ref, spikes_ref, wfull_ref, bcol_ref,
               slott_ref, eidembt_ref, out_ref, base_ref, obuf_ref, sems):
    b_idx = pl.program_id(0)
    t_idx = pl.program_id(1)
    nt = pl.num_programs(1)
    nsteps = pl.num_programs(0) * nt
    i = b_idx * nt + t_idx
    slot = jax.lax.rem(i, _NBUF)
    tt = obuf_ref.shape[1]
    d, n = base_ref.shape

    @pl.when(t_idx == 0)
    def _build_base():
        regt = regrows_ref[...][:, 0:d].T
        e = eids_ref[b_idx]
        neids = eidembt_ref.shape[1]
        ohe = (jax.lax.broadcasted_iota(jnp.int32, (neids, 8), 0) == e
               ).astype(jnp.float32)
        evt = jnp.dot(eidembt_ref[...], ohe,
                      preferred_element_type=jnp.float32)
        base_ref[...] = (slott_ref[...] + regt
                         + evt[:, 0:1] + bcol_ref[...])

    dst = out_ref.at[b_idx, pl.ds(t_idx * tt, tt)]

    @pl.when(i >= _NBUF)
    def _wait_slot():
        pltpu.make_async_copy(obuf_ref.at[slot], dst, sems.at[slot]).wait()

    sp = spikes_ref[0]
    obuf_ref[slot] = (sp[:, None, :] * wfull_ref[...][None, :, :]
                      + base_ref[...][None, :, :])
    pltpu.make_async_copy(obuf_ref.at[slot], dst, sems.at[slot]).start()

    @pl.when(i == nsteps - 1)
    def _drain():
        for k in range(_NBUF):
            pltpu.make_async_copy(obuf_ref.at[k], dst, sems.at[k]).wait()


@jax.jit
def kernel(spikes, neuron_regions, eids, w_spike, b_spike, neuron_slot,
           region_emb, eid_emb):
    B, T, N = spikes.shape
    D = neuron_slot.shape[1]
    rows = B * N
    rpw = rows // _NW

    eids32 = eids.astype(jnp.int32)
    idxflat = neuron_regions.astype(jnp.int32).reshape(-1)
    exttab = jnp.pad(region_emb, ((0, 0), (0, 128 - D)))

    scmesh = plsc.VectorSubcoreMesh(core_axis_name="c", subcore_axis_name="s")
    sc_gather = functools.partial(
        pl.kernel,
        out_type=jax.ShapeDtypeStruct((rows, 128), jnp.float32),
        mesh=scmesh,
        scratch_types=[
            pltpu.VMEM((rpw,), jnp.int32),
            pltpu.VMEM((rpw, 128), jnp.float32),
            pltpu.SemaphoreType.DMA,
        ],
    )(_sc_gather_kernel)
    regrows = sc_gather(idxflat, exttab)

    wfull = jnp.broadcast_to(w_spike, (D, N))
    bcol = b_spike.reshape(D, 1)
    slott = neuron_slot[:N].T
    eidembt = eid_emb.T

    outt = pl.pallas_call(
        _tc_kernel,
        grid=(B, T // _TT),
        in_specs=[
            pl.BlockSpec(memory_space=pltpu.SMEM),
            pl.BlockSpec((N, 128), lambda b, t: (b, 0)),
            pl.BlockSpec((1, _TT, N), lambda b, t: (b, t, 0)),
            pl.BlockSpec((D, N), lambda b, t: (0, 0)),
            pl.BlockSpec((D, 1), lambda b, t: (0, 0)),
            pl.BlockSpec((D, N), lambda b, t: (0, 0)),
            pl.BlockSpec((D, eid_emb.shape[0]), lambda b, t: (0, 0)),
        ],
        out_specs=pl.BlockSpec(memory_space=pltpu.MemorySpace.HBM),
        out_shape=jax.ShapeDtypeStruct((B, T, D, N), jnp.float32),
        scratch_shapes=[
            pltpu.VMEM((D, N), jnp.float32),
            pltpu.VMEM((_NBUF, _TT, D, N), jnp.float32),
            pltpu.SemaphoreType.DMA((_NBUF,)),
        ],
    )(eids32, regrows, spikes, wfull, bcol, slott, eidembt)
    return outt.transpose(0, 1, 3, 2)

# --- scband reference (transcript-rebuilt; emitter-appended) ---
"""Pipeline reference for scband-neuron-token-embed-25915832664662 (READ-ONLY COPY).

The authoritative reference and input builder live on the scoring server;
editing this copy changes nothing except your own understanding.
"""

import jax, jax.numpy as jnp
import numpy as np

D_MODEL = 64
MAX_NEURONS = 4096
MAX_REGIONS = 64
MAX_EIDS = 256
B, T, N = 8, 64, 1024


def setup_inputs(seed: int = 0) -> dict:
    key = jax.random.key(seed)
    ks = jax.random.split(key, 8)
    spikes = jax.random.uniform(ks[0], (B, T, N), dtype=jnp.float32)
    neuron_regions = jax.random.randint(ks[1], (B, N), 0, MAX_REGIONS, dtype=jnp.int64 if jax.config.jax_enable_x64 else jnp.int32)
    eids = jax.random.randint(ks[2], (B,), 0, MAX_EIDS, dtype=jnp.int64 if jax.config.jax_enable_x64 else jnp.int32)
    # Parameters (PyTorch Linear(1, D): weight [D,1], bias [D])
    w_spike = jax.random.normal(ks[3], (D_MODEL, 1), dtype=jnp.float32) * (1.0 / np.sqrt(1.0))
    b_spike = jax.random.normal(ks[4], (D_MODEL,), dtype=jnp.float32) * 0.02
    neuron_slot = jax.random.normal(ks[5], (MAX_NEURONS, D_MODEL), dtype=jnp.float32) * 0.02
    region_emb = jax.random.normal(ks[6], (MAX_REGIONS, D_MODEL), dtype=jnp.float32) * 0.02
    eid_emb = jax.random.normal(ks[7], (MAX_EIDS, D_MODEL), dtype=jnp.float32) * 0.02
    return {
        "spikes": spikes,
        "neuron_regions": neuron_regions,
        "eids": eids,
        "w_spike": w_spike,
        "b_spike": b_spike,
        "neuron_slot": neuron_slot,
        "region_emb": region_emb,
        "eid_emb": eid_emb,
    }


def reference(spikes, neuron_regions, eids, w_spike, b_spike, neuron_slot, region_emb, eid_emb):
    Bv, Tv, Nv = spikes.shape
    # spike_proj: Linear(1, D) applied to spikes[..., None]
    x = spikes[..., None] * w_spike[:, 0] + b_spike  # [B,T,N,D]
    # neuron slot identity embedding (session-local slots 0..N-1)
    idx = jnp.arange(Nv)
    x = x + jnp.take(neuron_slot, idx, axis=0)[None, None, :, :]
    # region embedding
    regions = jnp.clip(neuron_regions, 0, region_emb.shape[0] - 1)
    x = x + jnp.take(region_emb, regions, axis=0)[:, None, :, :]
    # eid embedding
    e = jnp.clip(eids, 0, eid_emb.shape[0] - 1)
    x = x + jnp.take(eid_emb, e, axis=0)[:, None, None, :]
    return x

if __name__ == "__main__":
    import jax
    _d = setup_inputs()
    print(jax.jit(kernel)(*tuple(_d.values())))

</pallas_src>

<mosaic_0001>
#map = affine_map<(d0, d1) -> (0)>
#map1 = affine_map<(d0, d1) -> (0, 0)>
module attributes {stable_mosaic.version = 14 : i64} {
  func.func @_sc_gather_kernel(%arg0: i32, %arg1: i32, %arg2: memref<8192xi32, #tpu.memory_space<hbm>>, %arg3: memref<64x128xf32, #tpu.memory_space<hbm>>, %arg4: memref<8192x128xf32, #tpu.memory_space<hbm>>, %arg5: memref<256xi32, #tpu.memory_space<vmem>>, %arg6: memref<256x128xf32, #tpu.memory_space<vmem>>, %arg7: memref<!tpu.dma_semaphore, #tpu.memory_space<semaphore_mem>>) attributes {dimension_semantics = [#tpu.dimension_semantics<core_parallel>, #tpu.dimension_semantics<subcore_parallel>], iteration_bounds = array<i64: 2, 16>, scalar_prefetch = 0 : i64, scratch_operands = 3 : i64, tpu.core_type = #tpu.core_type<sc_vector_subcore>, window_params = [{transform_indices = #map}, {transform_indices = #map1}, {transform_indices = #map1}]} {
    %mul3A = arith.constant 2 : i32
    %mul3A_0 = arith.muli %arg1, %mul3A : i32
    %add3A = arith.addi %mul3A_0, %arg0 : i32
    %mul3A_1 = arith.constant 256 : i32
    %mul3A_2 = arith.muli %add3A, %mul3A_1 : i32
    "tpu.region"() ({
      %run_scoped3A = tpu.sem_alloc : memref<!tpu.dma_semaphore, #tpu.memory_space<semaphore_mem>>
      %dma_start3A_7 = tpu.memref_slice %arg2[%mul3A_2] : memref<8192xi32, #tpu.memory_space<hbm>> -> memref<256xi32, #tpu.memory_space<hbm>>
      %dma_start3A_8 = tpu.memref_slice %arg2[%mul3A_2] : memref<8192xi32, #tpu.memory_space<hbm>> -> memref<256xi32, #tpu.memory_space<hbm>>
      tpu.enqueue_dma source(%dma_start3A_8 : memref<256xi32, #tpu.memory_space<hbm>>) target(%arg5 : memref<256xi32, #tpu.memory_space<vmem>>) target_semaphore(%run_scoped3A : memref<!tpu.dma_semaphore, #tpu.memory_space<semaphore_mem>>)
      %dma_wait3A_9 = tpu.memref_slice %arg2[%mul3A_2] : memref<8192xi32, #tpu.memory_space<hbm>> -> memref<256xi32, #tpu.memory_space<hbm>>
      %dma_wait3A_10 = tpu.memref_slice %arg2[%mul3A_2] : memref<8192xi32, #tpu.memory_space<hbm>> -> memref<256xi32, #tpu.memory_space<hbm>>
      tpu.wait_dma2 semaphore(%run_scoped3A : memref<!tpu.dma_semaphore, #tpu.memory_space<semaphore_mem>>) src(%dma_wait3A_10 : memref<256xi32, #tpu.memory_space<hbm>>) dst(%arg5 : memref<256xi32, #tpu.memory_space<vmem>>)
      tpu.yield
    }) : () -> ()
    %dma_start3A = arith.constant 0 : i32
    %dma_start3A_3 = arith.constant 0 : i32
    %dma_start3A_4 = tpu.memref_slice %arg3[%dma_start3A, %dma_start3A_3] : memref<64x128xf32, #tpu.memory_space<hbm>> -> memref<64x128xf32, #tpu.memory_space<hbm>>
    tpu.enqueue_indirect_dma source(%dma_start3A_4 : memref<64x128xf32, #tpu.memory_space<hbm>>) target(%arg6 : memref<256x128xf32, #tpu.memory_space<vmem>>) offsets(%arg5 : memref<256xi32, #tpu.memory_space<vmem>>) semaphore(%arg7 : memref<!tpu.dma_semaphore, #tpu.memory_space<semaphore_mem>>)
    %dma_wait3A = arith.constant 0 : i32
    %dma_wait3A_5 = arith.constant 0 : i32
    %dma_wait3A_6 = tpu.memref_slice %arg3[%dma_wait3A, %dma_wait3A_5] : memref<64x128xf32, #tpu.memory_space<hbm>> -> memref<64x128xf32, #tpu.memory_space<hbm>>
    tpu.wait_indirect_dma semaphore(%arg7 : memref<!tpu.dma_semaphore, #tpu.memory_space<semaphore_mem>>) src(%dma_wait3A_6 : memref<64x128xf32, #tpu.memory_space<hbm>>) dst(%arg6 : memref<256x128xf32, #tpu.memory_space<vmem>>)
    "tpu.region"() ({
      %run_scoped3A = tpu.sem_alloc : memref<!tpu.dma_semaphore, #tpu.memory_space<semaphore_mem>>
      %dma_start3A_7 = arith.constant 0 : i32
      %dma_start3A_8 = tpu.memref_slice %arg4[%mul3A_2, %dma_start3A_7] : memref<8192x128xf32, #tpu.memory_space<hbm>> -> memref<256x128xf32, #tpu.memory_space<hbm>>
      %dma_start3A_9 = arith.constant 0 : i32
      %dma_start3A_10 = tpu.memref_slice %arg4[%mul3A_2, %dma_start3A_9] : memref<8192x128xf32, #tpu.memory_space<hbm>> -> memref<256x128xf32, #tpu.memory_space<hbm>>
      tpu.enqueue_dma source(%arg6 : memref<256x128xf32, #tpu.memory_space<vmem>>) target(%dma_start3A_10 : memref<256x128xf32, #tpu.memory_space<hbm>>) target_semaphore(%run_scoped3A : memref<!tpu.dma_semaphore, #tpu.memory_space<semaphore_mem>>)
      %dma_wait3A_11 = arith.constant 0 : i32
      %dma_wait3A_12 = tpu.memref_slice %arg4[%mul3A_2, %dma_wait3A_11] : memref<8192x128xf32, #tpu.memory_space<hbm>> -> memref<256x128xf32, #tpu.memory_space<hbm>>
      %dma_wait3A_13 = arith.constant 0 : i32
      %dma_wait3A_14 = tpu.memref_slice %arg4[%mul3A_2, %dma_wait3A_13] : memref<8192x128xf32, #tpu.memory_space<hbm>> -> memref<256x128xf32, #tpu.memory_space<hbm>>
      tpu.wait_dma2 semaphore(%run_scoped3A : memref<!tpu.dma_semaphore, #tpu.memory_space<semaphore_mem>>) src(%arg6 : memref<256x128xf32, #tpu.memory_space<vmem>>) dst(%dma_wait3A_14 : memref<256x128xf32, #tpu.memory_space<hbm>>)
      tpu.yield
    }) : () -> ()
    return
  }
}

module attributes {stable_mosaic.version = 14 : i64} {
  func.func @_tc_kernel(%arg0: i32, %arg1: i32, %arg2: memref<8xi32, #tpu.memory_space<smem>>, %arg3: memref<1024x128xf32, #tpu.memory_space<vmem>>, %arg4: memref<1x16x1024xf32, #tpu.memory_space<vmem>>, %arg5: memref<64x1024xf32, #tpu.memory_space<vmem>>, %arg6: memref<64x1xf32, #tpu.memory_space<vmem>>, %arg7: memref<64x1024xf32, #tpu.memory_space<vmem>>, %arg8: memref<64x256xf32, #tpu.memory_space<vmem>>, %arg9: memref<8x64x64x1024xf32, #tpu.memory_space<hbm>>, %arg10: memref<64x1024xf32, #tpu.memory_space<vmem>>, %arg11: memref<4x16x64x1024xf32, #tpu.memory_space<vmem>>, %arg12: memref<4x!tpu.dma_semaphore, #tpu.memory_space<semaphore_mem>>) attributes {dimension_semantics = [#tpu.dimension_semantics<arbitrary>, #tpu.dimension_semantics<arbitrary>], iteration_bounds = array<i64: 8, 4>, scalar_prefetch = 0 : i64, scratch_operands = 3 : i64, tpu.core_type = #tpu.core_type<tc>, window_params = [{transform_indices = @transform_0, window_bounds = array<i64: 8>}, {transform_indices = @transform_1, window_bounds = array<i64: 1024, 128>}, {transform_indices = @transform_2, window_bounds = array<i64: 1, 16, 1024>}, {pipeline_mode = #tpu.pipeline_mode<synchronous>, transform_indices = @transform_3, window_bounds = array<i64: 64, 1024>}, {pipeline_mode = #tpu.pipeline_mode<synchronous>, transform_indices = @transform_4, window_bounds = array<i64: 64, 1>}, {pipeline_mode = #tpu.pipeline_mode<synchronous>, transform_indices = @transform_5, window_bounds = array<i64: 64, 1024>}, {pipeline_mode = #tpu.pipeline_mode<synchronous>, transform_indices = @transform_6, window_bounds = array<i64: 64, 256>}, {}]} {
    %mul3A = arith.constant 4 : i32
    %mul3A_0 = arith.muli %arg0, %mul3A : i32
    %add3A = arith.addi %mul3A_0, %arg1 : i32
    %rem3A = arith.constant 4 : i32
    %rem3A_1 = arith.remsi %add3A, %rem3A : i32
    %eq3A = arith.constant 0 : i32
    %eq3A_2 = arith.cmpi eq, %arg1, %eq3A : i32
    %convert_element_type3A = arith.extui %eq3A_2 : i1 to i32
    %cond3A = arith.constant 0 : i32
    %cond3A_3 = arith.cmpi ne, %convert_element_type3A, %cond3A : i32
    scf.if %cond3A_3 {
      %get3A_48 = arith.constant 0 : index
      %get3A_49 = arith.constant 0 : index
      %get3A_50 = vector.load %arg3[%get3A_48, %get3A_49] : memref<1024x128xf32, #tpu.memory_space<vmem>>, vector<1024x128xf32>
      %slice3A = vector.extract_strided_slice %get3A_50 {offsets = [0, 0], sizes = [1024, 64], strides = [1, 1]} : vector<1024x128xf32> to vector<1024x64xf32>
      %transpose3A = tpu.transpose %slice3A, [1, 0] : vector<1024x64xf32> -> vector<64x1024xf32>
      %get3A_51 = arith.index_cast %arg0 : i32 to index
      %get3A_52 = memref.load %arg2[%get3A_51] : memref<8xi32, #tpu.memory_space<smem>>
      %iota3A = tpu.iota {dimensions = array<i32: 0>} : vector<256x8xi32>
      %eq3A_53 = vector.broadcast %get3A_52 : i32 to vector<256x8xi32>
      %eq3A_54 = arith.cmpi eq, %iota3A, %eq3A_53 : vector<256x8xi32>
      %convert_element_type3A_55 = arith.extui %eq3A_54 : vector<256x8xi1> to vector<256x8xi32>
      %convert_element_type3A_56 = arith.sitofp %convert_element_type3A_55 : vector<256x8xi32> to vector<256x8xf32>
      %get3A_57 = arith.constant 0 : index
      %get3A_58 = arith.constant 0 : index
      %get3A_59 = vector.load %arg8[%get3A_57, %get3A_58] : memref<64x256xf32, #tpu.memory_space<vmem>>, vector<64x256xf32>
      %dot_general3A = arith.constant dense<0.000000e+00> : vector<64x8xf32>
      %dot_general3A_60 = tpu.matmul %get3A_59, %convert_element_type3A_56, %dot_general3A {dimension_numbers = #tpu.dot_dimension_numbers<[1], [0], [0], [1], [0, 0, 1, 1], [], []>, transpose_lhs_hint = false} : vector<64x256xf32>, vector<256x8xf32>, vector<64x8xf32> -> vector<64x8xf32>
      %get3A_61 = arith.constant 0 : index
      %get3A_62 = arith.constant 0 : index
      %get3A_63 = vector.load %arg7[%get3A_61, %get3A_62] : memref<64x1024xf32, #tpu.memory_space<vmem>>, vector<64x1024xf32>
      %add3A_64 = arith.addf %get3A_63, %transpose3A : vector<64x1024xf32>
      %slice3A_65 = vector.extract_strided_slice %dot_general3A_60 {offsets = [0, 0], sizes = [64, 1], strides = [1, 1]} : vector<64x8xf32> to vector<64x1xf32>
      %add3A_66 = vector.broadcast %slice3A_65 : vector<64x1xf32> to vector<64x1024xf32>
      %add3A_67 = arith.addf %add3A_64, %add3A_66 : vector<64x1024xf32>
      %get3A_68 = arith.constant 0 : index
      %get3A_69 = arith.constant 0 : index
      %get3A_70 = vector.load %arg6[%get3A_68, %get3A_69] : memref<64x1xf32, #tpu.memory_space<vmem>>, vector<64x1xf32>
      %add3A_71 = vector.broadcast %get3A_70 : vector<64x1xf32> to vector<64x1024xf32>
      %add3A_72 = arith.addf %add3A_67, %add3A_71 : vector<64x1024xf32>
      %swap3A_73 = arith.constant 0 : index
      %swap3A_74 = arith.constant 0 : index
      %swap3A_75 = vector.load %arg10[%swap3A_73, %swap3A_74] : memref<64x1024xf32, #tpu.memory_space<vmem>>, vector<64x1024xf32>
      tpu.vector_store %arg10[%swap3A_73, %swap3A_74], %add3A_72 {strides = array<i32>} : memref<64x1024xf32, #tpu.memory_space<vmem>>, vector<64x1024xf32>,
    } else {
    }
    %mul3A_4 = arith.constant 16 : i32
    %mul3A_5 = arith.muli %arg1, %mul3A_4 : i32
    %ge3A = arith.constant 4 : i32
    %ge3A_6 = arith.cmpi sge, %add3A, %ge3A : i32
    %convert_element_type3A_7 = arith.extui %ge3A_6 : i1 to i32
    %cond3A_8 = arith.constant 0 : i32
    %cond3A_9 = arith.cmpi ne, %convert_element_type3A_7, %cond3A_8 : i32
    scf.if %cond3A_9 {
      %dma_wait3A = tpu.memref_slice %arg12[%rem3A_1] : memref<4x!tpu.dma_semaphore, #tpu.memory_space<semaphore_mem>> -> memref<1x!tpu.dma_semaphore, #tpu.memory_space<semaphore_mem>>
      %dma_wait3A_48 = tpu.memref_squeeze %dma_wait3A : memref<1x!tpu.dma_semaphore, #tpu.memory_space<semaphore_mem>> -> memref<!tpu.dma_semaphore, #tpu.memory_space<semaphore_mem>>
      %dma_wait3A_49 = arith.constant 0 : i32
      %dma_wait3A_50 = arith.constant 0 : i32
      %dma_wait3A_51 = tpu.memref_slice %arg9[%arg0, %mul3A_5, %dma_wait3A_49, %dma_wait3A_50] : memref<8x64x64x1024xf32, #tpu.memory_space<hbm>> -> memref<1x16x64x1024xf32, #tpu.memory_space<hbm>>
      %dma_wait3A_52 = tpu.memref_squeeze %dma_wait3A_51 : memref<1x16x64x1024xf32, #tpu.memory_space<hbm>> -> memref<16x64x1024xf32, #tpu.memory_space<hbm>>
      %dma_wait3A_53 = arith.constant 0 : i32
      %dma_wait3A_54 = arith.constant 0 : i32
      %dma_wait3A_55 = arith.constant 0 : i32
      %dma_wait3A_56 = tpu.memref_slice %arg11[%rem3A_1, %dma_wait3A_53, %dma_wait3A_54, %dma_wait3A_55] : memref<4x16x64x1024xf32, #tpu.memory_space<vmem>> -> memref<1x16x64x1024xf32, #tpu.memory_space<vmem>>
      %dma_wait3A_57 = tpu.memref_squeeze %dma_wait3A_56 : memref<1x16x64x1024xf32, #tpu.memory_space<vmem>> -> memref<16x64x1024xf32, #tpu.memory_space<vmem>>
      tpu.wait_dma2 semaphore(%dma_wait3A_48 : memref<!tpu.dma_semaphore, #tpu.memory_space<semaphore_mem>>) src(%dma_wait3A_57 : memref<16x64x1024xf32, #tpu.memory_space<vmem>>) dst(%dma_wait3A_52 : memref<16x64x1024xf32, #tpu.memory_space<hbm>>)
    } else {
    }
    %get3A = arith.constant 0 : index
    %get3A_10 = arith.constant 0 : index
    %get3A_11 = arith.constant 0 : index
    %get3A_12 = vector.load %arg4[%get3A, %get3A_10, %get3A_11] : memref<1x16x1024xf32, #tpu.memory_space<vmem>>, vector<1x16x1024xf32>
    %get3A_13 = vector.shape_cast %get3A_12 : vector<1x16x1024xf32> to vector<16x1024xf32>
    %broadcast_in_dim3A = vector.shape_cast %get3A_13 : vector<16x1024xf32> to vector<16x1x1024xf32>
    %get3A_14 = arith.constant 0 : index
    %get3A_15 = arith.constant 0 : index
    %get3A_16 = vector.load %arg5[%get3A_14, %get3A_15] : memref<64x1024xf32, #tpu.memory_space<vmem>>, vector<64x1024xf32>
    %broadcast_in_dim3A_17 = vector.shape_cast %get3A_16 : vector<64x1024xf32> to vector<1x64x1024xf32>
    %mul3A_18 = vector.broadcast %broadcast_in_dim3A : vector<16x1x1024xf32> to vector<16x64x1024xf32>
    %mul3A_19 = vector.broadcast %broadcast_in_dim3A_17 : vector<1x64x1024xf32> to vector<16x64x1024xf32>
    %mul3A_20 = arith.mulf %mul3A_18, %mul3A_19 : vector<16x64x1024xf32>
    %get3A_21 = arith.constant 0 : index
    %get3A_22 = arith.constant 0 : index
    %get3A_23 = vector.load %arg10[%get3A_21, %get3A_22] : memref<64x1024xf32, #tpu.memory_space<vmem>>, vector<64x1024xf32>
    %broadcast_in_dim3A_24 = vector.shape_cast %get3A_23 : vector<64x1024xf32> to vector<1x64x1024xf32>
    %add3A_25 = vector.broadcast %broadcast_in_dim3A_24 : vector<1x64x1024xf32> to vector<16x64x1024xf32>
    %add3A_26 = arith.addf %mul3A_20, %add3A_25 : vector<16x64x1024xf32>
    %swap3A = arith.index_cast %rem3A_1 : i32 to index
    %swap3A_27 = arith.constant 0 : index
    %swap3A_28 = arith.constant 0 : index
    %swap3A_29 = arith.constant 0 : index
    %swap3A_30 = vector.load %arg11[%swap3A, %swap3A_27, %swap3A_28, %swap3A_29] : memref<4x16x64x1024xf32, #tpu.memory_space<vmem>>, vector<1x16x64x1024xf32>
    %swap3A_31 = vector.shape_cast %swap3A_30 : vector<1x16x64x1024xf32> to vector<16x64x1024xf32>
    %swap3A_32 = vector.shape_cast %add3A_26 : vector<16x64x1024xf32> to vector<1x16x64x1024xf32>
    tpu.vector_store %arg11[%swap3A, %swap3A_27, %swap3A_28, %swap3A_29], %swap3A_32 {strides = array<i32>} : memref<4x16x64x1024xf32, #tpu.memory_space<vmem>>, vector<1x16x64x1024xf32>,
    %dma_start3A = tpu.memref_slice %arg12[%rem3A_1] : memref<4x!tpu.dma_semaphore, #tpu.memory_space<semaphore_mem>> -> memref<1x!tpu.dma_semaphore, #tpu.memory_space<semaphore_mem>>
    %dma_start3A_33 = tpu.memref_squeeze %dma_start3A : memref<1x!tpu.dma_semaphore, #tpu.memory_space<semaphore_mem>> -> memref<!tpu.dma_semaphore, #tpu.memory_space<semaphore_mem>>
    %dma_start3A_34 = arith.constant 0 : i32
    %dma_start3A_35 = arith.constant 0 : i32
    %dma_start3A_36 = tpu.memref_slice %arg9[%arg0, %mul3A_5, %dma_start3A_34, %dma_start3A_35] : memref<8x64x64x1024xf32, #tpu.memory_space<hbm>> -> memref<1x16x64x1024xf32, #tpu.memory_space<hbm>>
    %dma_start3A_37 = tpu.memref_squeeze %dma_start3A_36 : memref<1x16x64x1024xf32, #tpu.memory_space<hbm>> -> memref<16x64x1024xf32, #tpu.memory_space<hbm>>
    %dma_start3A_38 = arith.constant 0 : i32
    %dma_start3A_39 = arith.constant 0 : i32
    %dma_start3A_40 = arith.constant 0 : i32
    %dma_start3A_41 = tpu.memref_slice %arg11[%rem3A_1, %dma_start3A_38, %dma_start3A_39, %dma_start3A_40] : memref<4x16x64x1024xf32, #tpu.memory_space<vmem>> -> memref<1x16x64x1024xf32, #tpu.memory_space<vmem>>
    %dma_start3A_42 = tpu.memref_squeeze %dma_start3A_41 : memref<1x16x64x1024xf32, #tpu.memory_space<vmem>> -> memref<16x64x1024xf32, #tpu.memory_space<vmem>>
    tpu.enqueue_dma source(%dma_start3A_42 : memref<16x64x1024xf32, #tpu.memory_space<vmem>>) target(%dma_start3A_37 : memref<16x64x1024xf32, #tpu.memory_space<hbm>>) target_semaphore(%dma_start3A_33 : memref<!tpu.dma_semaphore, #tpu.memory_space<semaphore_mem>>)
    %eq3A_43 = arith.constant 31 : i32
    %eq3A_44 = arith.cmpi eq, %add3A, %eq3A_43 : i32
    %convert_element_type3A_45 = arith.extui %eq3A_44 : i1 to i32
    %cond3A_46 = arith.constant 0 : i32
    %cond3A_47 = arith.cmpi ne, %convert_element_type3A_45, %cond3A_46 : i32
    scf.if %cond3A_47 {
      %dma_wait3A = arith.constant 0 : i32
      %dma_wait3A_48 = arith.constant 0 : i32
      %dma_wait3A_49 = tpu.memref_slice %arg12[%dma_wait3A_48] : memref<4x!tpu.dma_semaphore, #tpu.memory_space<semaphore_mem>> -> memref<1x!tpu.dma_semaphore, #tpu.memory_space<semaphore_mem>>
      %dma_wait3A_50 = tpu.memref_squeeze %dma_wait3A_49 : memref<1x!tpu.dma_semaphore, #tpu.memory_space<semaphore_mem>> -> memref<!tpu.dma_semaphore, #tpu.memory_space<semaphore_mem>>
      %dma_wait3A_51 = arith.constant 0 : i32
      %dma_wait3A_52 = arith.constant 0 : i32
      %dma_wait3A_53 = tpu.memref_slice %arg9[%arg0, %mul3A_5, %dma_wait3A_51, %dma_wait3A_52] : memref<8x64x64x1024xf32, #tpu.memory_space<hbm>> -> memref<1x16x64x1024xf32, #tpu.memory_space<hbm>>
      %dma_wait3A_54 = tpu.memref_squeeze %dma_wait3A_53 : memref<1x16x64x1024xf32, #tpu.memory_space<hbm>> -> memref<16x64x1024xf32, #tpu.memory_space<hbm>>
      %dma_wait3A_55 = arith.constant 0 : i32
      %dma_wait3A_56 = arith.constant 0 : i32
      %dma_wait3A_57 = arith.constant 0 : i32
      %dma_wait3A_58 = tpu.memref_slice %arg11[%dma_wait3A, %dma_wait3A_55, %dma_wait3A_56, %dma_wait3A_57] : memref<4x16x64x1024xf32, #tpu.memory_space<vmem>> -> memref<1x16x64x1024xf32, #tpu.memory_space<vmem>>
      %dma_wait3A_59 = tpu.memref_squeeze %dma_wait3A_58 : memref<1x16x64x1024xf32, #tpu.memory_space<vmem>> -> memref<16x64x1024xf32, #tpu.memory_space<vmem>>
      tpu.wait_dma2 semaphore(%dma_wait3A_50 : memref<!tpu.dma_semaphore, #tpu.memory_space<semaphore_mem>>) src(%dma_wait3A_59 : memref<16x64x1024xf32, #tpu.memory_space<vmem>>) dst(%dma_wait3A_54 : memref<16x64x1024xf32, #tpu.memory_space<hbm>>)
      %dma_wait3A_60 = arith.constant 1 : i32
      %dma_wait3A_61 = arith.constant 1 : i32
      %dma_wait3A_62 = tpu.memref_slice %arg12[%dma_wait3A_61] : memref<4x!tpu.dma_semaphore, #tpu.memory_space<semaphore_mem>> -> memref<1x!tpu.dma_semaphore, #tpu.memory_space<semaphore_mem>>
      %dma_wait3A_63 = tpu.memref_squeeze %dma_wait3A_62 : memref<1x!tpu.dma_semaphore, #tpu.memory_space<semaphore_mem>> -> memref<!tpu.dma_semaphore, #tpu.memory_space<semaphore_mem>>
      %dma_wait3A_64 = arith.constant 0 : i32
      %dma_wait3A_65 = arith.constant 0 : i32
      %dma_wait3A_66 = tpu.memref_slice %arg9[%arg0, %mul3A_5, %dma_wait3A_64, %dma_wait3A_65] : memref<8x64x64x1024xf32, #tpu.memory_space<hbm>> -> memref<1x16x64x1024xf32, #tpu.memory_space<hbm>>
      %dma_wait3A_67 = tpu.memref_squeeze %dma_wait3A_66 : memref<1x16x64x1024xf32, #tpu.memory_space<hbm>> -> memref<16x64x1024xf32, #tpu.memory_space<hbm>>
      %dma_wait3A_68 = arith.constant 0 : i32
      %dma_wait3A_69 = arith.constant 0 : i32
      %dma_wait3A_70 = arith.constant 0 : i32
      %dma_wait3A_71 = tpu.memref_slice %arg11[%dma_wait3A_60, %dma_wait3A_68, %dma_wait3A_69, %dma_wait3A_70] : memref<4x16x64x1024xf32, #tpu.memory_space<vmem>> -> memref<1x16x64x1024xf32, #tpu.memory_space<vmem>>
      %dma_wait3A_72 = tpu.memref_squeeze %dma_wait3A_71 : memref<1x16x64x1024xf32, #tpu.memory_space<vmem>> -> memref<16x64x1024xf32, #tpu.memory_space<vmem>>
      tpu.wait_dma2 semaphore(%dma_wait3A_63 : memref<!tpu.dma_semaphore, #tpu.memory_space<semaphore_mem>>) src(%dma_wait3A_72 : memref<16x64x1024xf32, #tpu.memory_space<vmem>>) dst(%dma_wait3A_67 : memref<16x64x1024xf32, #tpu.memory_space<hbm>>)
      %dma_wait3A_73 = arith.constant 2 : i32
      %dma_wait3A_74 = arith.constant 2 : i32
      %dma_wait3A_75 = tpu.memref_slice %arg12[%dma_wait3A_74] : memref<4x!tpu.dma_semaphore, #tpu.memory_space<semaphore_mem>> -> memref<1x!tpu.dma_semaphore, #tpu.memory_space<semaphore_mem>>
      %dma_wait3A_76 = tpu.memref_squeeze %dma_wait3A_75 : memref<1x!tpu.dma_semaphore, #tpu.memory_space<semaphore_mem>> -> memref<!tpu.dma_semaphore, #tpu.memory_space<semaphore_mem>>
      %dma_wait3A_77 = arith.constant 0 : i32
      %dma_wait3A_78 = arith.constant 0 : i32
      %dma_wait3A_79 = tpu.memref_slice %arg9[%arg0, %mul3A_5, %dma_wait3A_77, %dma_wait3A_78] : memref<8x64x64x1024xf32, #tpu.memory_space<hbm>> -> memref<1x16x64x1024xf32, #tpu.memory_space<hbm>>
      %dma_wait3A_80 = tpu.memref_squeeze %dma_wait3A_79 : memref<1x16x64x1024xf32, #tpu.memory_space<hbm>> -> memref<16x64x1024xf32, #tpu.memory_space<hbm>>
      %dma_wait3A_81 = arith.constant 0 : i32
      %dma_wait3A_82 = arith.constant 0 : i32
      %dma_wait3A_83 = arith.constant 0 : i32
      %dma_wait3A_84 = tpu.memref_slice %arg11[%dma_wait3A_73, %dma_wait3A_81, %dma_wait3A_82, %dma_wait3A_83] : memref<4x16x64x1024xf32, #tpu.memory_space<vmem>> -> memref<1x16x64x1024xf32, #tpu.memory_space<vmem>>
      %dma_wait3A_85 = tpu.memref_squeeze %dma_wait3A_84 : memref<1x16x64x1024xf32, #tpu.memory_space<vmem>> -> memref<16x64x1024xf32, #tpu.memory_space<vmem>>
      tpu.wait_dma2 semaphore(%dma_wait3A_76 : memref<!tpu.dma_semaphore, #tpu.memory_space<semaphore_mem>>) src(%dma_wait3A_85 : memref<16x64x1024xf32, #tpu.memory_space<vmem>>) dst(%dma_wait3A_80 : memref<16x64x1024xf32, #tpu.memory_space<hbm>>)
      %dma_wait3A_86 = arith.constant 3 : i32
      %dma_wait3A_87 = arith.constant 3 : i32
      %dma_wait3A_88 = tpu.memref_slice %arg12[%dma_wait3A_87] : memref<4x!tpu.dma_semaphore, #tpu.memory_space<semaphore_mem>> -> memref<1x!tpu.dma_semaphore, #tpu.memory_space<semaphore_mem>>
      %dma_wait3A_89 = tpu.memref_squeeze %dma_wait3A_88 : memref<1x!tpu.dma_semaphore, #tpu.memory_space<semaphore_mem>> -> memref<!tpu.dma_semaphore, #tpu.memory_space<semaphore_mem>>
      %dma_wait3A_90 = arith.constant 0 : i32
      %dma_wait3A_91 = arith.constant 0 : i32
      %dma_wait3A_92 = tpu.memref_slice %arg9[%arg0, %mul3A_5, %dma_wait3A_90, %dma_wait3A_91] : memref<8x64x64x1024xf32, #tpu.memory_space<hbm>> -> memref<1x16x64x1024xf32, #tpu.memory_space<hbm>>
      %dma_wait3A_93 = tpu.memref_squeeze %dma_wait3A_92 : memref<1x16x64x1024xf32, #tpu.memory_space<hbm>> -> memref<16x64x1024xf32, #tpu.memory_space<hbm>>
      %dma_wait3A_94 = arith.constant 0 : i32
      %dma_wait3A_95 = arith.constant 0 : i32
      %dma_wait3A_96 = arith.constant 0 : i32
      %dma_wait3A_97 = tpu.memref_slice %arg11[%dma_wait3A_86, %dma_wait3A_94, %dma_wait3A_95, %dma_wait3A_96] : memref<4x16x64x1024xf32, #tpu.memory_space<vmem>> -> memref<1x16x64x1024xf32, #tpu.memory_space<vmem>>
      %dma_wait3A_98 = tpu.memref_squeeze %dma_wait3A_97 : memref<1x16x64x1024xf32, #tpu.memory_space<vmem>> -> memref<16x64x1024xf32, #tpu.memory_space<vmem>>
      tpu.wait_dma2 semaphore(%dma_wait3A_89 : memref<!tpu.dma_semaphore, #tpu.memory_space<semaphore_mem>>) src(%dma_wait3A_98 : memref<16x64x1024xf32, #tpu.memory_space<vmem>>) dst(%dma_wait3A_93 : memref<16x64x1024xf32, #tpu.memory_space<hbm>>)
    } else {
    }
    return
  }
  func.func @transform_0(%arg0: i32, %arg1: i32) -> i32 {
    %c0_i32 = arith.constant 0 : i32
    %c0_i32_0 = arith.constant 0 : i32
    return %c0_i32 : i32
  }
  func.func @transform_1(%arg0: i32, %arg1: i32) -> (i32, i32) {
    %c0_i32 = arith.constant 0 : i32
    %c0_i32_0 = arith.constant 0 : i32
    return %arg0, %c0_i32 : i32, i32
  }
  func.func @transform_2(%arg0: i32, %arg1: i32) -> (i32, i32, i32) {
    %c0_i32 = arith.constant 0 : i32
    %c0_i32_0 = arith.constant 0 : i32
    return %arg0, %arg1, %c0_i32 : i32, i32, i32
  }
  func.func @transform_3(%arg0: i32, %arg1: i32) -> (i32, i32) {
    %c0_i32 = arith.constant 0 : i32
    %c0_i32_0 = arith.constant 0 : i32
    %c0_i32_1 = arith.constant 0 : i32
    return %c0_i32, %c0_i32_0 : i32, i32
  }
  func.func @transform_4(%arg0: i32, %arg1: i32) -> (i32, i32) {
    %c0_i32 = arith.constant 0 : i32
    %c0_i32_0 = arith.constant 0 : i32
    %c0_i32_1 = arith.constant 0 : i32
    return %c0_i32, %c0_i32_0 : i32, i32
  }
  func.func @transform_5(%arg0: i32, %arg1: i32) -> (i32, i32) {
    %c0_i32 = arith.constant 0 : i32
    %c0_i32_0 = arith.constant 0 : i32
    %c0_i32_1 = arith.constant 0 : i32
    return %c0_i32, %c0_i32_0 : i32, i32
  }
  func.func @transform_6(%arg0: i32, %arg1: i32) -> (i32, i32) {
    %c0_i32 = arith.constant 0 : i32
    %c0_i32_0 = arith.constant 0 : i32
    %c0_i32_1 = arith.constant 0 : i32
    return %c0_i32, %c0_i32_0 : i32, i32
  }
}

</mosaic_0001>

<sc_bundles>
// kernel: kernel.4.cloned.1.call-start
scs
__scs_entry_jumppad:
0x0: {  	(pc) =	sbr.rel $0x88, $3  }
0x1: {  	(tag) =	ssettag $0x0;
	lr =	simm.s32 $0x1  }
0x2: {  	[smem:$0x3F99] =	sst lr;
	_ =	strace $0xD0000000  }
0x3: {  	_ = 	snop  }
0x4: {  	_ = 	snop  }
0x5: {  	_ = 	snop  }
0x6: {  	_ = 	snop  }
0x7: {  	_ = 	snop  }
__scs_overlays_trampoline_lowered:
0x8: {  	[smem:$0x3FA8] =	sst s0  }
0x9: {  	[smem:$0x3FA9] =	sst s1  }
0xa: {  	[smem:$0x3FAA] =	sst s2  }
0xb: {  	[smem:$0x3FAB] =	sst s3  }
0xc: {  	[smem:$0x3FAC] =	sst s4  }
0xd: {  	[smem:$0x3FAD] =	sst s5  }
0xe: {  	[smem:$0x3FAE] =	sst s6  }
0xf: {  	[smem:$0x3FAF] =	sst s7  }
0x10: {  	[smem:$0x3FB0] =	sst s8  }
0x11: {  	[smem:$0x3FB1] =	sst s9;
	s0 =	simm.s32 @!p0 $0x0  }
0x12: {  	s1 =	sld [smem:$0x3F97];
	s0 =	simm.s32 @p0 $0x1  }
0x13: {  	[smem:$0x3FB2] =	sst s0;
	s0 =	simm.s32 @!p1 $0x0  }
0x14: {  	s2 =	sld [smem:$0x3F96];
	s0 =	simm.s32 @p1 $0x1  }
0x15: {  	[smem:$0x3FB3] =	sst s0;
	s0 =	simm.s32 @!p2 $0x0  }
0x16: {  	s3 =	sld [smem:$0x3FDB];
	s0 =	simm.s32 @p2 $0x1  }
0x17: {  	s4 =	simm.s32 $0x1BF5;
	[smem:$0x3FB5] =	sst s0  }
0x18: {  	s0 =	sld [smem:$0x3F98];
	_ =	swait.ge [sflag:s4], $0x0  }
0x19: {  	s7 =	sld [smem:$0x3F99]  }
0x1a: {  	s8 =	sadd.s32 $0xFFFFE003, lr  }
0x1b: {  	s9 =	sadd.s32 $0xFFFFFEF7, lr;
	s5 =	simm.s32 $0xFFFFFFFF;
	p2 =	slt.u32 s8, $0xFFFFF086  }
0x1c: {  	p1 =	slt.u32 s9, $0xF7A;
	s5 =	simm.s32 @!p2 $0x0  }
0x1d: {  	s5 =	simm.s32 @p1 $0x1;
	p0 =	seq.s32 s7, s2  }
0x1e: {  	s7 =	smul.u32 @!p0 $0xF7A, s2;
	p2 =	seq.s32 @!p0 s5, $0x0  }
0x1f: {  	s9 =	smul.u32 $0xF7A, s1;
	s8 =	simm.s32 @!p0 $0x1BF5;
	p2 =	por !p2, p0  }
0x20: {  	[sflag:s8] =	ssyncset.s32 @!p0 $0xFFFFF086;
	s6 =	sadd.s32 @!p0 s3, s7;
	s7 =	simm.s32 @!p0 $0x108  }
0x21: {  	s3 =	sadd.s32 s3, s9;
	s6 =	sadd.s32 @!p0 $0x88, s6;
	s7 =	simm.s32 @p2 $0x1082  }
0x22: {  	[simem:s7], [sflag:s8] =	dma.local @!p0 [hbm:s6], $0xF7A  }
0x23: {  	s9 =	sor.u32 $0xD0000000, s2;
	s6 =	simm.s32 $0x108;
	_ =	swait.ge @!p0 [sflag:s8], $0x0  }
0x24: {  	s3 =	sadd.s32 $0x88, s3;
	s6 =	simm.s32 @!p1 $0x1082;
	[sflag:s4] =	ssyncset.s32 $0xFFFFF086  }
0x25: {  	[simem:s6], [sflag:s4] =	dma.local [hbm:s3], $0xF7A  }
0x26: {  	[smem:$0x3F99] =	sst s1;
	(tag) =	ssettag s2;
	_ =	strace s9  }
0x27: {  	s1 =	sld [smem:$0x3FA9]  }
0x28: {  	s2 =	sld [smem:$0x3FAA]  }
0x29: {  	s4 =	sld [smem:$0x3FAC]  }
0x2a: {  	p0 =	seq.s32 s5, $0x0;
	s5 =	sld [smem:$0x3FAD]  }
0x2b: {  	s6 =	sld [smem:$0x3FAE]  }
0x2c: {  	s7 =	sld [smem:$0x3FAF]  }
0x2d: {  	s3 =	simm.s32 $0x108;
	s8 =	sld [smem:$0x3FB0]  }
0x2e: {  	s3 =	simm.s32 @!p0 $0x1082;
	s9 =	sld [smem:$0x3FB1]  }
0x2f: {  	lr =	sadd.s32 s0, s3;
	s0 =	sld [smem:$0x3FA8]  }
0x30: {  	s3 =	sld [smem:$0x3FAB]  }
0x31: {  	[smem:$0x3FB4] =	sst s10  }
0x32: {  	s10 =	sld [smem:$0x3FB2];
	_ =	sdelay $0x3  }
0x33: {  	p0 =	seq.s32 s10, $0x1;
	s10 =	sld [smem:$0x3FB4];
	_ =	sdelay $0x3  }
0x34: {  	[smem:$0x3FB4] =	sst s10  }
0x35: {  	s10 =	sld [smem:$0x3FB3];
	_ =	sdelay $0x3  }
0x36: {  	p1 =	seq.s32 s10, $0x1;
	s10 =	sld [smem:$0x3FB4];
	_ =	sdelay $0x3  }
0x37: {  	[smem:$0x3FB4] =	sst s10  }
0x38: {  	s10 =	sld [smem:$0x3FB5]  }
0x39: {  	_ = 	snop;
	(pc) =	sbr.ind lr, $3  }
0x3a: {  	_ = 	snop  }
0x3b: {  	_ = 	snop  }
0x3c: {  	p2 =	seq.s32 s10, $0x1;
	s10 =	sld [smem:$0x3FB4]  }
0x3d: {  	_ =	shalt  }
0x3e: {  	_ =	shalt  }
0x3f: {  	_ =	shalt  }
0x40: {  	_ =	shalt  }
0x41: {  	_ =	shalt  }
0x42: {  	_ =	shalt  }
0x43: {  	_ =	shalt  }
0x44: {  	_ =	shalt  }
0x45: {  	_ =	shalt  }
0x46: {  	_ =	shalt  }
0x47: {  	_ =	shalt  }
0x48: {  	_ =	shalt  }
0x49: {  	_ =	shalt  }
0x4a: {  	_ =	shalt  }
0x4b: {  	_ =	shalt  }
0x4c: {  	_ =	shalt  }
0x4d: {  	_ =	shalt  }
0x4e: {  	_ =	shalt  }
0x4f: {  	_ =	shalt  }
0x50: {  	_ =	shalt  }
0x51: {  	_ =	shalt  }
0x52: {  	_ =	shalt  }
0x53: {  	_ =	shalt  }
0x54: {  	_ =	shalt  }
0x55: {  	_ =	shalt  }
0x56: {  	_ =	shalt  }
0x57: {  	_ =	shalt  }
0x58: {  	_ =	shalt  }
0x59: {  	_ =	shalt  }
0x5a: {  	_ =	shalt  }
0x5b: {  	_ =	shalt  }
0x5c: {  	_ =	shalt  }
0x5d: {  	_ =	shalt  }
0x5e: {  	_ =	shalt  }
0x5f: {  	_ =	shalt  }
0x60: {  	_ =	shalt  }
0x61: {  	_ =	shalt  }
0x62: {  	_ =	shalt  }
0x63: {  	_ =	shalt  }
0x64: {  	_ =	shalt  }
0x65: {  	_ =	shalt  }
0x66: {  	_ =	shalt  }
0x67: {  	_ =	shalt  }
0x68: {  	_ =	shalt  }
0x69: {  	_ =	shalt  }
0x6a: {  	_ =	shalt  }
0x6b: {  	_ =	shalt  }
0x6c: {  	_ =	shalt  }
0x6d: {  	_ =	shalt  }
0x6e: {  	_ =	shalt  }
0x6f: {  	_ =	shalt  }
0x70: {  	_ =	shalt  }
0x71: {  	_ =	shalt  }
0x72: {  	_ =	shalt  }
0x73: {  	_ =	shalt  }
0x74: {  	_ =	shalt  }
0x75: {  	_ =	shalt  }
0x76: {  	_ =	shalt  }
0x77: {  	_ =	shalt  }
0x78: {  	_ =	shalt  }
0x79: {  	_ =	shalt  }
0x7a: {  	_ =	shalt  }
0x7b: {  	_ =	shalt  }
0x7c: {  	_ =	shalt  }
0x7d: {  	_ =	shalt  }
0x7e: {  	_ =	shalt  }
0x7f: {  	_ =	shalt  }
0x80: {  	_ =	shalt  }
0x81: {  	_ =	shalt  }
0x82: {  	_ =	shalt  }
0x83: {  	_ =	shalt  }
0x84: {  	_ =	shalt  }
0x85: {  	_ =	shalt  }
0x86: {  	_ =	shalt  }
0x87: {  	_ =	shalt  }
.Lfunc_end0:
.L_simem_size_0:
called_computation_lowered:
.L_overlay_start_0:
0x88: {  	s2 =	sld [smem:$0x3FD9]  }
0x89: {  	s3 =	sld [smem:$0x3FFE];
	_ =	sdelay $0x1  }
0x8a: {  	s1 =	srdreg.scid  }
0x8b: {  	s0 =	sand.u32 $0x1, s1  }
0x8c: {  	s17 =	sshll.u32 s0, $0xA;
	s2 =	sadd.s32 s3, s2  }
0x8d: {  	s2 =	sadd.s32 s2, s17  }
0x8e: {  	[smem:$0x3FC0] =	sst s2  }
0x8f: {  	_ = 	snop  }
0x90: {  	s2 =	sld [smem:$0x3FD0];
	(tm) =	ssettm $0x1  }
0x91: {  	s18 =	sld [smem:$0x3FFB];
	_ =	sdelay $0x3  }
0x92: {  	_ =	strace s18  }
0x93: {  	s3 =	sld [smem:$0x3FFC];
	_ =	sdelay $0x3  }
0x94: {  	_ =	strace s3  }
0x95: {  	s3 =	sld [smem:$0x3FFD];
	_ =	sdelay $0x3  }
0x96: {  	_ =	strace s3  }
0x97: {  	_ =	strace $0x8FFFFFFF  }
0x98: {  	s19 =	sld [smem:$0x3FDB];
	_ =	sdelay $0x1  }
0x99: {  	s4 =	simm.s32 $_scs_section_size  }
0x9a: {  	s5 =	simm.s32 $_size__tile_overlayer_lowered;
	s6 =	simm.s32 $_tile_overlayer_lowered  }
0x9b: {  	s22 =	simm.s32 $0x1BFF;
	s21 =	sshll.u32 s6, $0x1;
	s3 =	sadd.s32 s4, s19  }
0x9c: {  	s7 =	simm.s32 $0x0;
	s20 =	sshll.u32 s5, $0x1;
	s5 =	sadd.s32 s21, s3  }
0x9d: {  	[timem:s7], [sflag:s22] =	dma.local [hbm:s5], s20  }
0x9e: {  	_ =	swait.ge [sflag:s22], s20  }
0x9f: {  	s4 =	ssub.s32 $0x0, s20;
	[sflag:s22] =	ssyncset.done $0x0  }
0xa0: {  	[sflag:s22] =	ssyncadd.s32 s4;
	_ =	sdelay $0x1  }
0xa1: {  	s23 =	simm.s32 $0x1B8B  }
0xa2: {  	_ =	swait.ge [sflag:s23], $0x1  }
0xa3: {  	[sflag:s23] =	ssyncset.done $0x0  }
0xa4: {  	s25 =	simm.s32 $0x1B8E;
	s24 =	sld [smem:$0x3FFE];
	[sflag:s23] =	ssyncadd.s32 $0xFFFFFFFF  }
0xa5: {  	s26 =	simm.s32 $execute0_lowered;
	[smem:$0x3FD2] =	sst s25  }
0xa6: {  	s5 =	sshll.u32 s26, $0x1;
	_ =	strace $0x80000046;
	[dreg:$0x1] =	wrdreg $0xFFFFFFFF  }
0xa7: {  	s28 =	simm.s32 $_size_execute0_lowered;
	s3 =	sadd.s32 s3, s5;
	[dreg:$0x0] =	wrdreg $0x0  }
0xa8: {  	s5 =	sshll.u32 s28, $0x1;
	[dreg:$0x2] =	wrdreg s3  }
0xa9: {  	[dreg:$0x3] =	wrdreg s5  }
0xaa: {  	[dreg:$0x4] =	wrdreg $0xC0  }
0xab: {  	_ =	task [dreg:s7], $0x5FFFF  }
0xac: {  	[dreg:$0x1] =	wrdreg $0xFFFFFFFF  }
0xad: {  	[dreg:$0x0] =	wrdreg $0x60  }
0xae: {  	[dreg:$0x2] =	wrdreg s24  }
0xaf: {  	[dreg:$0x3] =	wrdreg s2  }
0xb0: {  	[dreg:$0x4] =	wrdreg $0x9  }
0xb1: {  	_ =	task.clear_ibuf [dreg:s7], $0x5FFFF;
	_ =	strace $0x90000046  }
0xb2: {  	s29 =	simm.s32 $0x9;
	_ =	strace $0x80000048  }
0xb3: {  	_ =	swait.ge [sflag:s29], $0x1  }
0xb4: {  	[sflag:s29] =	ssyncadd.s32 $0xFFFFFFFF  }
0xb5: {  	_ =	strace $0x90000048  }
0xb6: {  	_ =	sfence  }
0xb7: {  	s30 =	sld [smem:$0x0];
	_ =	sdelay $0x2  }
0xb8: {  	s31 =	sshll.u32 s1, $0xD;
	s1 =	sshrl.u32 s1, $0x2  }
0xb9: {  	s3 =	sand.u32 $0x4000, s31;
	s1 =	sadd.s32 s1, s30  }
0xba: {  	s0 =	sor.u32 s3, s0;
	s1 =	sshll.u32 s1, $0x11  }
0xbb: {  	s0 =	sor.u32 s1, s0  }
0xbc: {  	s0 =	sadd.s32 $0x8F2B, s0  }
0xbd: {  	[sflag:s0] =	ssyncadd.remote.s32 $0x1  }
0xbe: {  	_ =	sfence.sel $0xFFFF  }
0xbf: {  	[dreg:$0x0] =	wrdreg $0xFFFFFFFF;
	(pc) =	sbr.abs _section_cstart, $3  }
0xc0: {  	[dreg:$0x1] =	wrdreg $0xFFFFFFFF  }
0xc1: {  	_ =	task.clear_ibuf [dreg:s7], $0x2FFFF;
	_ =	strace $0x9FFFFFFF  }
0xc2: {  	(tm) =	ssettm $0x7FFFFFFF  }
0xc3: {  	_ =	shalt  }
tec
execute0_lowered:
.L_overlay_start_1:
0x0: {  	(tag) =	ssettag $0x1  }
0x1: {  	s1 =	srdreg.scid  }
0x2: {  	s0 =	stileid.u32;
	s6 =	sand.u32 $0x1, s1  }
0x3: {  	s5 =	rddreg [dreg:$0x0];
	s30 =	sshll.u32 s0, $0x9;
	s2 =	sshll.u32 s6, $0x8  }
0x4: {  	s8 =	rddreg [dreg:$0x1];
	s9 =	sor.u32 s2, s30  }
0x5: {  	s1 =	rddreg [dreg:$0x2];
	s2 =	simm.s32 $0x0;
	s3 =	sshrl.u32 s9, $0x3  }
0x6: {  	s10 =	ssub.s32 $0x2, s6;
	[smem:$0x7FF] =	sst s2;
	s3 =	sadd.s32 s3, s5  }
0x7: {  	_ =	strace $0x80000047;
	s4 =	sadd.s32 $0x1000, s3;
	s3 =	simm.s32 $0x2  }
0x8: {  	[tilespmem:s2], [sflag:$0x2] =	stream.linear.gather [hbm4b:s4+s2], $0x100, $0x38;
	[tilespmem:$0x8100] =	vst v63  }
0x9: {  	s7 =	simm.s32 $0x1;
	s11 =	sshrl.u32 s10, $0x1;
	_ =	swait.ge [sflag:s3], $0x100  }
0xa: {  	s6 =	simm.s32 $0x100;
	s10 =	ssub.s32 s10, s11;
	[sflag:s3] =	ssyncset.done $0x0  }
0xb: {  	s5 =	sadd.s32 $0x1400, s5;
	s31 =	smax.u32 s10, $0x1;
	[sflag:s3] =	ssyncadd.s32 $0xFFFFFF00  }
0xc: {  	[tilespmem:s6], [sflag:$0x1] =	stream.indirect.gather [hbm4b:s5+s6], $0x80, s2, s6, $0xb8;
	[tilespmem:$0x8100] =	vst v63  }
0xd: {  	p0 =	sne.s32 s31, $0x1;
	_ =	swait.ge [sflag:s7], $0x8000  }
.Ltmp0:
0xe: {  	s9 =	sshll.u32 s9, $0x4;
	[sflag:s7] =	ssyncset.done $0x0;
	(pc) =	sbr.rel @!p0 .LBB2_2-.Ltmp0, $4  }
0xf: {  	s8 =	sadd.s32 s8, s9;
	[sflag:s7] =	ssyncadd.s32 $0xFFFF8000  }
0x10: {  	[hbm4b:s8+s2] =	stream.linear.scatter [tilespmem:s6], [sflag:$0x2], $0x8000, $0x38;
	[tilespmem:$0x8100] =	vst v63  }
0x11: {  	_ =	swait.ge [sflag:s3], $0x8000  }
0x12: {  	s9 =	sadd.s32 $0xFFFFFFFF, s31;
	[sflag:s3] =	ssyncset.done $0x0  }
.LBB2_1:
0x13: {  	p0 =	sne.s32 s9, $0x1;
	s9 =	sadd.s32 $0xFFFFFFFF, s9;
	[sflag:s3] =	ssyncadd.s32 $0xFFFF8000  }
0x14: {  	[tilespmem:s2], [sflag:$0x2] =	stream.linear.gather [hbm4b:s4+s2], $0x100, $0x38;
	[tilespmem:$0x8100] =	vst v63  }
0x15: {  	_ =	swait.ge [sflag:s3], $0x100  }
0x16: {  	[sflag:s3] =	ssyncset.done $0x0  }
0x17: {  	[sflag:s3] =	ssyncadd.s32 $0xFFFFFF00  }
0x18: {  	[tilespmem:s6], [sflag:$0x1] =	stream.indirect.gather [hbm4b:s5+s6], $0x80, s2, s6, $0xb8;
	[tilespmem:$0x8100] =	vst v63  }
0x19: {  	_ =	swait.ge [sflag:s7], $0x8000  }
.Ltmp1:
0x1a: {  	[sflag:s7] =	ssyncset.done $0x0;
	(pc) =	sbr.rel @p0 .LBB2_1-.Ltmp1, $4  }
0x1b: {  	[sflag:s7] =	ssyncadd.s32 $0xFFFF8000  }
0x1c: {  	[hbm4b:s8+s2] =	stream.linear.scatter [tilespmem:s6], [sflag:$0x2], $0x8000, $0x38;
	[tilespmem:$0x8100] =	vst v63  }
0x1d: {  	_ =	swait.ge [sflag:s3], $0x8000  }
0x1e: {  	[sflag:s3] =	ssyncset.done $0x0  }
.LBB2_2:
0x1f: {  	[sflag:s3] =	ssyncadd.s32 $0xFFFF8000  }
0x20: {  	_ =	sfence.sel $0x180000  }
0x21: {  	[bflag:$0x0] =	sbarrier.arrive $0xFFFF  }
0x22: {  	p0 =	sne.s32 s0, $0x0;
	_ =	strace $0x90000047  }
0x23: {  	s0 =	sadd.s32 @!p0 $0x100000, s1;
	[bflag:$0x2] =	sbarrier.arrive $0xFFFF  }
0x24: {  	[sflag:s0] =	ssyncadd.tile.s32 @!p0 $0x1;
	_ =	shalt  }
.Lfunc_end2:
_tile_overlayer_lowered:
.L_overlay_start_2:
0x25: {  	(tag) =	ssettag $0x2  }
0x26: {  	s0 =	rddreg [dreg:$0x0];
	s2 =	stileid.u32  }
0x27: {  	s1 =	rddreg [dreg:$0x1];
	p0 =	sne.s32 s2, $0x0  }
0x28: {  	s3 =	rddreg [dreg:$0x2];
	[bflag:$0x3] =	sbarrier.arrive $0xFFFF;
	s2 =	simm.s32 @!p0 $0x1C02  }
0x29: {  	[timem:s3], [sflag:s2] =	dma.local @!p0 [hbm:s0], s1  }
0x2a: {  	s0 =	simm.s32 @!p0 $0x2  }
0x2b: {  	_ =	swait.ge @!p0 [sflag:s0], s1  }
0x2c: {  	s1 =	ssub.s32 @!p0 $0x0, s1;
	[sflag:s0] =	ssyncset.done @!p0 $0x0  }
0x2d: {  	[sflag:s0] =	ssyncadd.s32 @!p0 s1  }
0x2e: {  	[bflag:$0x3] =	sbarrier.arrive $0xFFFF  }
0x2f: {  	_ =	shalt  }

</sc_bundles>
